<compile_context>
chip_gen: v7x
topology: tpu7x:2x2x1
jax: 0.10.2.dev20260603
libtpu: 0.0.44.dev20260713+nightly
codegen_flags: <defaults>
</compile_context>

<pallas_src>
import functools

import jax
import jax.numpy as jnp
from jax import lax
from jax.experimental import pallas as pl
from jax.experimental.pallas import tpu as pltpu
from jax.experimental.pallas import tpu_sc as plsc

_STRIDE = 32


def kernel(x):
    b, h, s, d = x.shape
    k = s // _STRIDE
    n = b * h
    x2 = x.reshape(n * s, d)

    info = plsc.get_sparse_core_info()
    nc, ns, nl = info.num_cores, info.num_subcores, info.num_lanes
    nw = nc * ns
    per_w = n // nw

    mesh = plsc.VectorSubcoreMesh(core_axis_name="c", subcore_axis_name="s")

    @functools.partial(
        pl.kernel,
        mesh=mesh,
        out_type=jax.ShapeDtypeStruct((n * k, d), jnp.float32),
        scratch_types=[
            pltpu.VMEM((per_w, k), jnp.int32),
            pltpu.VMEM((per_w * k, d), jnp.float32),
            pltpu.SemaphoreType.DMA,
        ],
    )
    def sc_fn(x_hbm, out_hbm, idx_v, rows_v, sem):
        wid = lax.axis_index("s") * nc + lax.axis_index("c")
        lanes = lax.iota(jnp.int32, nl) * _STRIDE
        for j in range(per_w):
            base = (wid * per_w + j) * s
            for t in range(k // nl):
                idx_v[j, pl.ds(t * nl, nl)] = base + t * nl * _STRIDE + lanes
        copies = [
            pltpu.async_copy(
                x_hbm.at[idx_v.at[j]],
                rows_v.at[pl.ds(j * k, k)],
                sem,
            )
            for j in range(per_w)
        ]
        for c in copies:
            c.wait()
        pltpu.sync_copy(rows_v, out_hbm.at[pl.ds(wid * per_w * k, per_w * k)])

    out = sc_fn(x2)
    return out.reshape(b, h, k, d)

# --- scband reference (transcript-rebuilt; emitter-appended) ---
"""Pipeline reference for scband-down-sample-attention-14147622273101 (READ-ONLY COPY).

The authoritative reference and input builder live on the scoring server;
editing this copy changes nothing except your own understanding.
"""

import jax, jax.numpy as jnp
import numpy as np

IDX = jnp.arange(0, 4096, 32, dtype=jnp.int32)  # matches init_kwargs idx: 128 strided indices

def setup_inputs(seed: int = 0) -> dict:
    key = jax.random.key(seed)
    x = jax.random.normal(key, (4, 16, 4096, 128), dtype=jnp.float32)
    return {"x": x}

def reference(x):
    # DownSampleAttention.forward: return x[:, :, self.idx]
    # Pure gather along axis 2 using the constant index vector.
    return jnp.take(x, IDX, axis=2)

if __name__ == "__main__":
    import jax
    _d = setup_inputs()
    print(jax.jit(kernel)(*tuple(_d.values())))

</pallas_src>

<mosaic_0001>
#map = affine_map<(d0, d1) -> (0, 0)>
module attributes {stable_mosaic.version = 14 : i64} {
  func.func @sc_fn(%arg0: i32, %arg1: i32, %arg2: memref<262144x128xf32, #tpu.memory_space<hbm>>, %arg3: memref<8192x128xf32, #tpu.memory_space<hbm>>, %arg4: memref<2x128xi32, #tpu.memory_space<vmem>>, %arg5: memref<256x128xf32, #tpu.memory_space<vmem>>, %arg6: memref<!tpu.dma_semaphore, #tpu.memory_space<semaphore_mem>>) attributes {dimension_semantics = [#tpu.dimension_semantics<core_parallel>, #tpu.dimension_semantics<subcore_parallel>], iteration_bounds = array<i64: 2, 16>, scalar_prefetch = 0 : i64, scratch_operands = 3 : i64, tpu.core_type = #tpu.core_type<sc_vector_subcore>, window_params = [{transform_indices = #map}, {transform_indices = #map}]} {
    %mul3A = arith.constant 2 : i32
    %mul3A_0 = arith.muli %arg1, %mul3A : i32
    %add3A = arith.addi %mul3A_0, %arg0 : i32
    %iota3A = tpu.iota {dimensions = array<i32: 0>} : vector<16xi32>
    %mul3A_1 = arith.constant 32 : i32
    %mul3A_2 = vector.broadcast %mul3A_1 : i32 to vector<16xi32>
    %mul3A_3 = arith.muli %iota3A, %mul3A_2 : vector<16xi32>
    %mul3A_4 = arith.constant 2 : i32
    %mul3A_5 = arith.muli %add3A, %mul3A_4 : i32
    %add3A_6 = arith.constant 0 : i32
    %add3A_7 = arith.addi %mul3A_5, %add3A_6 : i32
    %mul3A_8 = arith.constant 4096 : i32
    %mul3A_9 = arith.muli %add3A_7, %mul3A_8 : i32
    %add3A_10 = arith.constant 0 : i32
    %add3A_11 = arith.addi %mul3A_9, %add3A_10 : i32
    %add3A_12 = vector.broadcast %add3A_11 : i32 to vector<16xi32>
    %add3A_13 = arith.addi %add3A_12, %mul3A_3 : vector<16xi32>
    %swap3A = arith.constant 0 : i32
    %swap3A_14 = arith.index_cast %swap3A : i32 to index
    %swap3A_15 = arith.constant 0 : index
    %swap3A_16 = tpu.vector_load %arg4[%swap3A_14, %swap3A_15] {strides = array<i32>} : memref<2x128xi32, #tpu.memory_space<vmem>>, vector<1x16xi32>,
    %swap3A_17 = vector.shape_cast %swap3A_16 : vector<1x16xi32> to vector<16xi32>
    %swap3A_18 = vector.shape_cast %add3A_13 : vector<16xi32> to vector<1x16xi32>
    tpu.vector_store %arg4[%swap3A_14, %swap3A_15], %swap3A_18 {strides = array<i32>} : memref<2x128xi32, #tpu.memory_space<vmem>>, vector<1x16xi32>,
    %add3A_19 = arith.constant 512 : i32
    %add3A_20 = arith.addi %mul3A_9, %add3A_19 : i32
    %add3A_21 = vector.broadcast %add3A_20 : i32 to vector<16xi32>
    %add3A_22 = arith.addi %add3A_21, %mul3A_3 : vector<16xi32>
    %swap3A_23 = arith.constant 0 : i32
    %swap3A_24 = arith.index_cast %swap3A_23 : i32 to index
    %swap3A_25 = arith.constant 16 : index
    %swap3A_26 = tpu.vector_load %arg4[%swap3A_24, %swap3A_25] {strides = array<i32>} : memref<2x128xi32, #tpu.memory_space<vmem>>, vector<1x16xi32>,
    %swap3A_27 = vector.shape_cast %swap3A_26 : vector<1x16xi32> to vector<16xi32>
    %swap3A_28 = vector.shape_cast %add3A_22 : vector<16xi32> to vector<1x16xi32>
    tpu.vector_store %arg4[%swap3A_24, %swap3A_25], %swap3A_28 {strides = array<i32>} : memref<2x128xi32, #tpu.memory_space<vmem>>, vector<1x16xi32>,
    %add3A_29 = arith.constant 1024 : i32
    %add3A_30 = arith.addi %mul3A_9, %add3A_29 : i32
    %add3A_31 = vector.broadcast %add3A_30 : i32 to vector<16xi32>
    %add3A_32 = arith.addi %add3A_31, %mul3A_3 : vector<16xi32>
    %swap3A_33 = arith.constant 0 : i32
    %swap3A_34 = arith.index_cast %swap3A_33 : i32 to index
    %swap3A_35 = arith.constant 32 : index
    %swap3A_36 = tpu.vector_load %arg4[%swap3A_34, %swap3A_35] {strides = array<i32>} : memref<2x128xi32, #tpu.memory_space<vmem>>, vector<1x16xi32>,
    %swap3A_37 = vector.shape_cast %swap3A_36 : vector<1x16xi32> to vector<16xi32>
    %swap3A_38 = vector.shape_cast %add3A_32 : vector<16xi32> to vector<1x16xi32>
    tpu.vector_store %arg4[%swap3A_34, %swap3A_35], %swap3A_38 {strides = array<i32>} : memref<2x128xi32, #tpu.memory_space<vmem>>, vector<1x16xi32>,
    %add3A_39 = arith.constant 1536 : i32
    %add3A_40 = arith.addi %mul3A_9, %add3A_39 : i32
    %add3A_41 = vector.broadcast %add3A_40 : i32 to vector<16xi32>
    %add3A_42 = arith.addi %add3A_41, %mul3A_3 : vector<16xi32>
    %swap3A_43 = arith.constant 0 : i32
    %swap3A_44 = arith.index_cast %swap3A_43 : i32 to index
    %swap3A_45 = arith.constant 48 : index
    %swap3A_46 = tpu.vector_load %arg4[%swap3A_44, %swap3A_45] {strides = array<i32>} : memref<2x128xi32, #tpu.memory_space<vmem>>, vector<1x16xi32>,
    %swap3A_47 = vector.shape_cast %swap3A_46 : vector<1x16xi32> to vector<16xi32>
    %swap3A_48 = vector.shape_cast %add3A_42 : vector<16xi32> to vector<1x16xi32>
    tpu.vector_store %arg4[%swap3A_44, %swap3A_45], %swap3A_48 {strides = array<i32>} : memref<2x128xi32, #tpu.memory_space<vmem>>, vector<1x16xi32>,
    %add3A_49 = arith.constant 2048 : i32
    %add3A_50 = arith.addi %mul3A_9, %add3A_49 : i32
    %add3A_51 = vector.broadcast %add3A_50 : i32 to vector<16xi32>
    %add3A_52 = arith.addi %add3A_51, %mul3A_3 : vector<16xi32>
    %swap3A_53 = arith.constant 0 : i32
    %swap3A_54 = arith.index_cast %swap3A_53 : i32 to index
    %swap3A_55 = arith.constant 64 : index
    %swap3A_56 = tpu.vector_load %arg4[%swap3A_54, %swap3A_55] {strides = array<i32>} : memref<2x128xi32, #tpu.memory_space<vmem>>, vector<1x16xi32>,
    %swap3A_57 = vector.shape_cast %swap3A_56 : vector<1x16xi32> to vector<16xi32>
    %swap3A_58 = vector.shape_cast %add3A_52 : vector<16xi32> to vector<1x16xi32>
    tpu.vector_store %arg4[%swap3A_54, %swap3A_55], %swap3A_58 {strides = array<i32>} : memref<2x128xi32, #tpu.memory_space<vmem>>, vector<1x16xi32>,
    %add3A_59 = arith.constant 2560 : i32
    %add3A_60 = arith.addi %mul3A_9, %add3A_59 : i32
    %add3A_61 = vector.broadcast %add3A_60 : i32 to vector<16xi32>
    %add3A_62 = arith.addi %add3A_61, %mul3A_3 : vector<16xi32>
    %swap3A_63 = arith.constant 0 : i32
    %swap3A_64 = arith.index_cast %swap3A_63 : i32 to index
    %swap3A_65 = arith.constant 80 : index
    %swap3A_66 = tpu.vector_load %arg4[%swap3A_64, %swap3A_65] {strides = array<i32>} : memref<2x128xi32, #tpu.memory_space<vmem>>, vector<1x16xi32>,
    %swap3A_67 = vector.shape_cast %swap3A_66 : vector<1x16xi32> to vector<16xi32>
    %swap3A_68 = vector.shape_cast %add3A_62 : vector<16xi32> to vector<1x16xi32>
    tpu.vector_store %arg4[%swap3A_64, %swap3A_65], %swap3A_68 {strides = array<i32>} : memref<2x128xi32, #tpu.memory_space<vmem>>, vector<1x16xi32>,
    %add3A_69 = arith.constant 3072 : i32
    %add3A_70 = arith.addi %mul3A_9, %add3A_69 : i32
    %add3A_71 = vector.broadcast %add3A_70 : i32 to vector<16xi32>
    %add3A_72 = arith.addi %add3A_71, %mul3A_3 : vector<16xi32>
    %swap3A_73 = arith.constant 0 : i32
    %swap3A_74 = arith.index_cast %swap3A_73 : i32 to index
    %swap3A_75 = arith.constant 96 : index
    %swap3A_76 = tpu.vector_load %arg4[%swap3A_74, %swap3A_75] {strides = array<i32>} : memref<2x128xi32, #tpu.memory_space<vmem>>, vector<1x16xi32>,
    %swap3A_77 = vector.shape_cast %swap3A_76 : vector<1x16xi32> to vector<16xi32>
    %swap3A_78 = vector.shape_cast %add3A_72 : vector<16xi32> to vector<1x16xi32>
    tpu.vector_store %arg4[%swap3A_74, %swap3A_75], %swap3A_78 {strides = array<i32>} : memref<2x128xi32, #tpu.memory_space<vmem>>, vector<1x16xi32>,
    %add3A_79 = arith.constant 3584 : i32
    %add3A_80 = arith.addi %mul3A_9, %add3A_79 : i32
    %add3A_81 = vector.broadcast %add3A_80 : i32 to vector<16xi32>
    %add3A_82 = arith.addi %add3A_81, %mul3A_3 : vector<16xi32>
    %swap3A_83 = arith.constant 0 : i32
    %swap3A_84 = arith.index_cast %swap3A_83 : i32 to index
    %swap3A_85 = arith.constant 112 : index
    %swap3A_86 = tpu.vector_load %arg4[%swap3A_84, %swap3A_85] {strides = array<i32>} : memref<2x128xi32, #tpu.memory_space<vmem>>, vector<1x16xi32>,
    %swap3A_87 = vector.shape_cast %swap3A_86 : vector<1x16xi32> to vector<16xi32>
    %swap3A_88 = vector.shape_cast %add3A_82 : vector<16xi32> to vector<1x16xi32>
    tpu.vector_store %arg4[%swap3A_84, %swap3A_85], %swap3A_88 {strides = array<i32>} : memref<2x128xi32, #tpu.memory_space<vmem>>, vector<1x16xi32>,
    %mul3A_89 = arith.constant 2 : i32
    %mul3A_90 = arith.muli %add3A, %mul3A_89 : i32
    %add3A_91 = arith.constant 1 : i32
    %add3A_92 = arith.addi %mul3A_90, %add3A_91 : i32
    %mul3A_93 = arith.constant 4096 : i32
    %mul3A_94 = arith.muli %add3A_92, %mul3A_93 : i32
    %add3A_95 = arith.constant 0 : i32
    %add3A_96 = arith.addi %mul3A_94, %add3A_95 : i32
    %add3A_97 = vector.broadcast %add3A_96 : i32 to vector<16xi32>
    %add3A_98 = arith.addi %add3A_97, %mul3A_3 : vector<16xi32>
    %swap3A_99 = arith.constant 1 : i32
    %swap3A_100 = arith.index_cast %swap3A_99 : i32 to index
    %swap3A_101 = arith.constant 0 : index
    %swap3A_102 = tpu.vector_load %arg4[%swap3A_100, %swap3A_101] {strides = array<i32>} : memref<2x128xi32, #tpu.memory_space<vmem>>, vector<1x16xi32>,
    %swap3A_103 = vector.shape_cast %swap3A_102 : vector<1x16xi32> to vector<16xi32>
    %swap3A_104 = vector.shape_cast %add3A_98 : vector<16xi32> to vector<1x16xi32>
    tpu.vector_store %arg4[%swap3A_100, %swap3A_101], %swap3A_104 {strides = array<i32>} : memref<2x128xi32, #tpu.memory_space<vmem>>, vector<1x16xi32>,
    %add3A_105 = arith.constant 512 : i32
    %add3A_106 = arith.addi %mul3A_94, %add3A_105 : i32
    %add3A_107 = vector.broadcast %add3A_106 : i32 to vector<16xi32>
    %add3A_108 = arith.addi %add3A_107, %mul3A_3 : vector<16xi32>
    %swap3A_109 = arith.constant 1 : i32
    %swap3A_110 = arith.index_cast %swap3A_109 : i32 to index
    %swap3A_111 = arith.constant 16 : index
    %swap3A_112 = tpu.vector_load %arg4[%swap3A_110, %swap3A_111] {strides = array<i32>} : memref<2x128xi32, #tpu.memory_space<vmem>>, vector<1x16xi32>,
    %swap3A_113 = vector.shape_cast %swap3A_112 : vector<1x16xi32> to vector<16xi32>
    %swap3A_114 = vector.shape_cast %add3A_108 : vector<16xi32> to vector<1x16xi32>
    tpu.vector_store %arg4[%swap3A_110, %swap3A_111], %swap3A_114 {strides = array<i32>} : memref<2x128xi32, #tpu.memory_space<vmem>>, vector<1x16xi32>,
    %add3A_115 = arith.constant 1024 : i32
    %add3A_116 = arith.addi %mul3A_94, %add3A_115 : i32
    %add3A_117 = vector.broadcast %add3A_116 : i32 to vector<16xi32>
    %add3A_118 = arith.addi %add3A_117, %mul3A_3 : vector<16xi32>
    %swap3A_119 = arith.constant 1 : i32
    %swap3A_120 = arith.index_cast %swap3A_119 : i32 to index
    %swap3A_121 = arith.constant 32 : index
    %swap3A_122 = tpu.vector_load %arg4[%swap3A_120, %swap3A_121] {strides = array<i32>} : memref<2x128xi32, #tpu.memory_space<vmem>>, vector<1x16xi32>,
    %swap3A_123 = vector.shape_cast %swap3A_122 : vector<1x16xi32> to vector<16xi32>
    %swap3A_124 = vector.shape_cast %add3A_118 : vector<16xi32> to vector<1x16xi32>
    tpu.vector_store %arg4[%swap3A_120, %swap3A_121], %swap3A_124 {strides = array<i32>} : memref<2x128xi32, #tpu.memory_space<vmem>>, vector<1x16xi32>,
    %add3A_125 = arith.constant 1536 : i32
    %add3A_126 = arith.addi %mul3A_94, %add3A_125 : i32
    %add3A_127 = vector.broadcast %add3A_126 : i32 to vector<16xi32>
    %add3A_128 = arith.addi %add3A_127, %mul3A_3 : vector<16xi32>
    %swap3A_129 = arith.constant 1 : i32
    %swap3A_130 = arith.index_cast %swap3A_129 : i32 to index
    %swap3A_131 = arith.constant 48 : index
    %swap3A_132 = tpu.vector_load %arg4[%swap3A_130, %swap3A_131] {strides = array<i32>} : memref<2x128xi32, #tpu.memory_space<vmem>>, vector<1x16xi32>,
    %swap3A_133 = vector.shape_cast %swap3A_132 : vector<1x16xi32> to vector<16xi32>
    %swap3A_134 = vector.shape_cast %add3A_128 : vector<16xi32> to vector<1x16xi32>
    tpu.vector_store %arg4[%swap3A_130, %swap3A_131], %swap3A_134 {strides = array<i32>} : memref<2x128xi32, #tpu.memory_space<vmem>>, vector<1x16xi32>,
    %add3A_135 = arith.constant 2048 : i32
    %add3A_136 = arith.addi %mul3A_94, %add3A_135 : i32
    %add3A_137 = vector.broadcast %add3A_136 : i32 to vector<16xi32>
    %add3A_138 = arith.addi %add3A_137, %mul3A_3 : vector<16xi32>
    %swap3A_139 = arith.constant 1 : i32
    %swap3A_140 = arith.index_cast %swap3A_139 : i32 to index
    %swap3A_141 = arith.constant 64 : index
    %swap3A_142 = tpu.vector_load %arg4[%swap3A_140, %swap3A_141] {strides = array<i32>} : memref<2x128xi32, #tpu.memory_space<vmem>>, vector<1x16xi32>,
    %swap3A_143 = vector.shape_cast %swap3A_142 : vector<1x16xi32> to vector<16xi32>
    %swap3A_144 = vector.shape_cast %add3A_138 : vector<16xi32> to vector<1x16xi32>
    tpu.vector_store %arg4[%swap3A_140, %swap3A_141], %swap3A_144 {strides = array<i32>} : memref<2x128xi32, #tpu.memory_space<vmem>>, vector<1x16xi32>,
    %add3A_145 = arith.constant 2560 : i32
    %add3A_146 = arith.addi %mul3A_94, %add3A_145 : i32
    %add3A_147 = vector.broadcast %add3A_146 : i32 to vector<16xi32>
    %add3A_148 = arith.addi %add3A_147, %mul3A_3 : vector<16xi32>
    %swap3A_149 = arith.constant 1 : i32
    %swap3A_150 = arith.index_cast %swap3A_149 : i32 to index
    %swap3A_151 = arith.constant 80 : index
    %swap3A_152 = tpu.vector_load %arg4[%swap3A_150, %swap3A_151] {strides = array<i32>} : memref<2x128xi32, #tpu.memory_space<vmem>>, vector<1x16xi32>,
    %swap3A_153 = vector.shape_cast %swap3A_152 : vector<1x16xi32> to vector<16xi32>
    %swap3A_154 = vector.shape_cast %add3A_148 : vector<16xi32> to vector<1x16xi32>
    tpu.vector_store %arg4[%swap3A_150, %swap3A_151], %swap3A_154 {strides = array<i32>} : memref<2x128xi32, #tpu.memory_space<vmem>>, vector<1x16xi32>,
    %add3A_155 = arith.constant 3072 : i32
    %add3A_156 = arith.addi %mul3A_94, %add3A_155 : i32
    %add3A_157 = vector.broadcast %add3A_156 : i32 to vector<16xi32>
    %add3A_158 = arith.addi %add3A_157, %mul3A_3 : vector<16xi32>
    %swap3A_159 = arith.constant 1 : i32
    %swap3A_160 = arith.index_cast %swap3A_159 : i32 to index
    %swap3A_161 = arith.constant 96 : index
    %swap3A_162 = tpu.vector_load %arg4[%swap3A_160, %swap3A_161] {strides = array<i32>} : memref<2x128xi32, #tpu.memory_space<vmem>>, vector<1x16xi32>,
    %swap3A_163 = vector.shape_cast %swap3A_162 : vector<1x16xi32> to vector<16xi32>
    %swap3A_164 = vector.shape_cast %add3A_158 : vector<16xi32> to vector<1x16xi32>
    tpu.vector_store %arg4[%swap3A_160, %swap3A_161], %swap3A_164 {strides = array<i32>} : memref<2x128xi32, #tpu.memory_space<vmem>>, vector<1x16xi32>,
    %add3A_165 = arith.constant 3584 : i32
    %add3A_166 = arith.addi %mul3A_94, %add3A_165 : i32
    %add3A_167 = vector.broadcast %add3A_166 : i32 to vector<16xi32>
    %add3A_168 = arith.addi %add3A_167, %mul3A_3 : vector<16xi32>
    %swap3A_169 = arith.constant 1 : i32
    %swap3A_170 = arith.index_cast %swap3A_169 : i32 to index
    %swap3A_171 = arith.constant 112 : index
    %swap3A_172 = tpu.vector_load %arg4[%swap3A_170, %swap3A_171] {strides = array<i32>} : memref<2x128xi32, #tpu.memory_space<vmem>>, vector<1x16xi32>,
    %swap3A_173 = vector.shape_cast %swap3A_172 : vector<1x16xi32> to vector<16xi32>
    %swap3A_174 = vector.shape_cast %add3A_168 : vector<16xi32> to vector<1x16xi32>
    tpu.vector_store %arg4[%swap3A_170, %swap3A_171], %swap3A_174 {strides = array<i32>} : memref<2x128xi32, #tpu.memory_space<vmem>>, vector<1x16xi32>,
    %dma_start3A = arith.constant 0 : i32
    %dma_start3A_175 = arith.constant 0 : i32
    %dma_start3A_176 = arith.constant 0 : i32
    %dma_start3A_177 = tpu.memref_slice %arg5[%dma_start3A_175, %dma_start3A_176] : memref<256x128xf32, #tpu.memory_space<vmem>> -> memref<128x128xf32, #tpu.memory_space<vmem>>
    %dma_start3A_178 = arith.constant 0 : i32
    %dma_start3A_179 = tpu.memref_slice %arg4[%dma_start3A, %dma_start3A_178] : memref<2x128xi32, #tpu.memory_space<vmem>> -> memref<1x128xi32, #tpu.memory_space<vmem>>
    %dma_start3A_180 = tpu.memref_squeeze %dma_start3A_179 : memref<1x128xi32, #tpu.memory_space<vmem>> -> memref<128xi32, #tpu.memory_space<vmem>>
    %dma_start3A_181 = arith.constant 0 : i32
    %dma_start3A_182 = arith.constant 0 : i32
    %dma_start3A_183 = tpu.memref_slice %arg2[%dma_start3A_181, %dma_start3A_182] : memref<262144x128xf32, #tpu.memory_space<hbm>> -> memref<262144x128xf32, #tpu.memory_space<hbm>>
    tpu.enqueue_indirect_dma source(%dma_start3A_183 : memref<262144x128xf32, #tpu.memory_space<hbm>>) target(%dma_start3A_177 : memref<128x128xf32, #tpu.memory_space<vmem>>) offsets(%dma_start3A_180 : memref<128xi32, #tpu.memory_space<vmem>>) semaphore(%arg6 : memref<!tpu.dma_semaphore, #tpu.memory_space<semaphore_mem>>)
    %dma_start3A_184 = arith.constant 1 : i32
    %dma_start3A_185 = arith.constant 128 : i32
    %dma_start3A_186 = arith.constant 0 : i32
    %dma_start3A_187 = tpu.memref_slice %arg5[%dma_start3A_185, %dma_start3A_186] : memref<256x128xf32, #tpu.memory_space<vmem>> -> memref<128x128xf32, #tpu.memory_space<vmem>>
    %dma_start3A_188 = arith.constant 0 : i32
    %dma_start3A_189 = tpu.memref_slice %arg4[%dma_start3A_184, %dma_start3A_188] : memref<2x128xi32, #tpu.memory_space<vmem>> -> memref<1x128xi32, #tpu.memory_space<vmem>>
    %dma_start3A_190 = tpu.memref_squeeze %dma_start3A_189 : memref<1x128xi32, #tpu.memory_space<vmem>> -> memref<128xi32, #tpu.memory_space<vmem>>
    %dma_start3A_191 = arith.constant 0 : i32
    %dma_start3A_192 = arith.constant 0 : i32
    %dma_start3A_193 = tpu.memref_slice %arg2[%dma_start3A_191, %dma_start3A_192] : memref<262144x128xf32, #tpu.memory_space<hbm>> -> memref<262144x128xf32, #tpu.memory_space<hbm>>
    tpu.enqueue_indirect_dma source(%dma_start3A_193 : memref<262144x128xf32, #tpu.memory_space<hbm>>) target(%dma_start3A_187 : memref<128x128xf32, #tpu.memory_space<vmem>>) offsets(%dma_start3A_190 : memref<128xi32, #tpu.memory_space<vmem>>) semaphore(%arg6 : memref<!tpu.dma_semaphore, #tpu.memory_space<semaphore_mem>>)
    %dma_wait3A = arith.constant 0 : i32
    %dma_wait3A_194 = arith.constant 0 : i32
    %dma_wait3A_195 = arith.constant 0 : i32
    %dma_wait3A_196 = tpu.memref_slice %arg5[%dma_wait3A_194, %dma_wait3A_195] : memref<256x128xf32, #tpu.memory_space<vmem>> -> memref<128x128xf32, #tpu.memory_space<vmem>>
    %dma_wait3A_197 = arith.constant 0 : i32
    %dma_wait3A_198 = tpu.memref_slice %arg4[%dma_wait3A, %dma_wait3A_197] : memref<2x128xi32, #tpu.memory_space<vmem>> -> memref<1x128xi32, #tpu.memory_space<vmem>>
    %dma_wait3A_199 = tpu.memref_squeeze %dma_wait3A_198 : memref<1x128xi32, #tpu.memory_space<vmem>> -> memref<128xi32, #tpu.memory_space<vmem>>
    %dma_wait3A_200 = arith.constant 0 : i32
    %dma_wait3A_201 = arith.constant 0 : i32
    %dma_wait3A_202 = tpu.memref_slice %arg2[%dma_wait3A_200, %dma_wait3A_201] : memref<262144x128xf32, #tpu.memory_space<hbm>> -> memref<262144x128xf32, #tpu.memory_space<hbm>>
    tpu.wait_indirect_dma semaphore(%arg6 : memref<!tpu.dma_semaphore, #tpu.memory_space<semaphore_mem>>) src(%dma_wait3A_202 : memref<262144x128xf32, #tpu.memory_space<hbm>>) dst(%dma_wait3A_196 : memref<128x128xf32, #tpu.memory_space<vmem>>)
    %dma_wait3A_203 = arith.constant 1 : i32
    %dma_wait3A_204 = arith.constant 128 : i32
    %dma_wait3A_205 = arith.constant 0 : i32
    %dma_wait3A_206 = tpu.memref_slice %arg5[%dma_wait3A_204, %dma_wait3A_205] : memref<256x128xf32, #tpu.memory_space<vmem>> -> memref<128x128xf32, #tpu.memory_space<vmem>>
    %dma_wait3A_207 = arith.constant 0 : i32
    %dma_wait3A_208 = tpu.memref_slice %arg4[%dma_wait3A_203, %dma_wait3A_207] : memref<2x128xi32, #tpu.memory_space<vmem>> -> memref<1x128xi32, #tpu.memory_space<vmem>>
    %dma_wait3A_209 = tpu.memref_squeeze %dma_wait3A_208 : memref<1x128xi32, #tpu.memory_space<vmem>> -> memref<128xi32, #tpu.memory_space<vmem>>
    %dma_wait3A_210 = arith.constant 0 : i32
    %dma_wait3A_211 = arith.constant 0 : i32
    %dma_wait3A_212 = tpu.memref_slice %arg2[%dma_wait3A_210, %dma_wait3A_211] : memref<262144x128xf32, #tpu.memory_space<hbm>> -> memref<262144x128xf32, #tpu.memory_space<hbm>>
    tpu.wait_indirect_dma semaphore(%arg6 : memref<!tpu.dma_semaphore, #tpu.memory_space<semaphore_mem>>) src(%dma_wait3A_212 : memref<262144x128xf32, #tpu.memory_space<hbm>>) dst(%dma_wait3A_206 : memref<128x128xf32, #tpu.memory_space<vmem>>)
    %mul3A_213 = arith.constant 2 : i32
    %mul3A_214 = arith.muli %add3A, %mul3A_213 : i32
    %mul3A_215 = arith.constant 128 : i32
    %mul3A_216 = arith.muli %mul3A_214, %mul3A_215 : i32
    "tpu.region"() ({
      %run_scoped3A = tpu.sem_alloc : memref<!tpu.dma_semaphore, #tpu.memory_space<semaphore_mem>>
      %dma_start3A_217 = arith.constant 0 : i32
      %dma_start3A_218 = tpu.memref_slice %arg3[%mul3A_216, %dma_start3A_217] : memref<8192x128xf32, #tpu.memory_space<hbm>> -> memref<256x128xf32, #tpu.memory_space<hbm>>
      %dma_start3A_219 = arith.constant 0 : i32
      %dma_start3A_220 = tpu.memref_slice %arg3[%mul3A_216, %dma_start3A_219] : memref<8192x128xf32, #tpu.memory_space<hbm>> -> memref<256x128xf32, #tpu.memory_space<hbm>>
      tpu.enqueue_dma source(%arg5 : memref<256x128xf32, #tpu.memory_space<vmem>>) target(%dma_start3A_220 : memref<256x128xf32, #tpu.memory_space<hbm>>) target_semaphore(%run_scoped3A : memref<!tpu.dma_semaphore, #tpu.memory_space<semaphore_mem>>)
      %dma_wait3A_221 = arith.constant 0 : i32
      %dma_wait3A_222 = tpu.memref_slice %arg3[%mul3A_216, %dma_wait3A_221] : memref<8192x128xf32, #tpu.memory_space<hbm>> -> memref<256x128xf32, #tpu.memory_space<hbm>>
      %dma_wait3A_223 = arith.constant 0 : i32
      %dma_wait3A_224 = tpu.memref_slice %arg3[%mul3A_216, %dma_wait3A_223] : memref<8192x128xf32, #tpu.memory_space<hbm>> -> memref<256x128xf32, #tpu.memory_space<hbm>>
      tpu.wait_dma2 semaphore(%run_scoped3A : memref<!tpu.dma_semaphore, #tpu.memory_space<semaphore_mem>>) src(%arg5 : memref<256x128xf32, #tpu.memory_space<vmem>>) dst(%dma_wait3A_224 : memref<256x128xf32, #tpu.memory_space<hbm>>)
      tpu.yield
    }) : () -> ()
    return
  }
}

</mosaic_0001>

<sc_bundles>
// kernel: kernel.3.cloned.1.call-start
scs
__scs_entry_jumppad:
0x0: {  	(pc) =	sbr.rel $0x88, $3  }
0x1: {  	(tag) =	ssettag $0x0;
	lr =	simm.s32 $0x1  }
0x2: {  	[smem:$0x3FA0] =	sst lr;
	_ =	strace $0xD0000000  }
0x3: {  	_ = 	snop  }
0x4: {  	_ = 	snop  }
0x5: {  	_ = 	snop  }
0x6: {  	_ = 	snop  }
0x7: {  	_ = 	snop  }
__scs_overlays_trampoline_lowered:
0x8: {  	[smem:$0x3FAF] =	sst s0  }
0x9: {  	[smem:$0x3FB0] =	sst s1  }
0xa: {  	[smem:$0x3FB1] =	sst s2  }
0xb: {  	[smem:$0x3FB2] =	sst s3  }
0xc: {  	[smem:$0x3FB3] =	sst s4  }
0xd: {  	[smem:$0x3FB4] =	sst s5  }
0xe: {  	[smem:$0x3FB5] =	sst s6  }
0xf: {  	[smem:$0x3FB6] =	sst s7  }
0x10: {  	[smem:$0x3FB7] =	sst s8  }
0x11: {  	[smem:$0x3FB8] =	sst s9;
	s0 =	simm.s32 @!p0 $0x0  }
0x12: {  	s1 =	sld [smem:$0x3F9E];
	s0 =	simm.s32 @p0 $0x1  }
0x13: {  	[smem:$0x3FB9] =	sst s0;
	s0 =	simm.s32 @!p1 $0x0  }
0x14: {  	s2 =	sld [smem:$0x3F9D];
	s0 =	simm.s32 @p1 $0x1  }
0x15: {  	[smem:$0x3FBA] =	sst s0;
	s0 =	simm.s32 @!p2 $0x0  }
0x16: {  	s3 =	sld [smem:$0x3FDB];
	s0 =	simm.s32 @p2 $0x1  }
0x17: {  	s4 =	simm.s32 $0x1BF5;
	[smem:$0x3FBC] =	sst s0  }
0x18: {  	s0 =	sld [smem:$0x3F9F];
	_ =	swait.ge [sflag:s4], $0x0  }
0x19: {  	s7 =	sld [smem:$0x3FA0]  }
0x1a: {  	s8 =	sadd.s32 $0xFFFFE003, lr  }
0x1b: {  	s9 =	sadd.s32 $0xFFFFFEF7, lr;
	s5 =	simm.s32 $0xFFFFFFFF;
	p2 =	slt.u32 s8, $0xFFFFF086  }
0x1c: {  	p1 =	slt.u32 s9, $0xF7A;
	s5 =	simm.s32 @!p2 $0x0  }
0x1d: {  	s5 =	simm.s32 @p1 $0x1;
	p0 =	seq.s32 s7, s2  }
0x1e: {  	s7 =	smul.u32 @!p0 $0xF7A, s2;
	p2 =	seq.s32 @!p0 s5, $0x0  }
0x1f: {  	s9 =	smul.u32 $0xF7A, s1;
	s8 =	simm.s32 @!p0 $0x1BF5;
	p2 =	por !p2, p0  }
0x20: {  	[sflag:s8] =	ssyncset.s32 @!p0 $0xFFFFF086;
	s6 =	sadd.s32 @!p0 s3, s7;
	s7 =	simm.s32 @!p0 $0x108  }
0x21: {  	s3 =	sadd.s32 s3, s9;
	s6 =	sadd.s32 @!p0 $0x88, s6;
	s7 =	simm.s32 @p2 $0x1082  }
0x22: {  	[simem:s7], [sflag:s8] =	dma.local @!p0 [hbm:s6], $0xF7A  }
0x23: {  	s9 =	sor.u32 $0xD0000000, s2;
	s6 =	simm.s32 $0x108;
	_ =	swait.ge @!p0 [sflag:s8], $0x0  }
0x24: {  	s3 =	sadd.s32 $0x88, s3;
	s6 =	simm.s32 @!p1 $0x1082;
	[sflag:s4] =	ssyncset.s32 $0xFFFFF086  }
0x25: {  	[simem:s6], [sflag:s4] =	dma.local [hbm:s3], $0xF7A  }
0x26: {  	[smem:$0x3FA0] =	sst s1;
	(tag) =	ssettag s2;
	_ =	strace s9  }
0x27: {  	s1 =	sld [smem:$0x3FB0]  }
0x28: {  	s2 =	sld [smem:$0x3FB1]  }
0x29: {  	s4 =	sld [smem:$0x3FB3]  }
0x2a: {  	p0 =	seq.s32 s5, $0x0;
	s5 =	sld [smem:$0x3FB4]  }
0x2b: {  	s6 =	sld [smem:$0x3FB5]  }
0x2c: {  	s7 =	sld [smem:$0x3FB6]  }
0x2d: {  	s3 =	simm.s32 $0x108;
	s8 =	sld [smem:$0x3FB7]  }
0x2e: {  	s3 =	simm.s32 @!p0 $0x1082;
	s9 =	sld [smem:$0x3FB8]  }
0x2f: {  	lr =	sadd.s32 s0, s3;
	s0 =	sld [smem:$0x3FAF]  }
0x30: {  	s3 =	sld [smem:$0x3FB2]  }
0x31: {  	[smem:$0x3FBB] =	sst s10  }
0x32: {  	s10 =	sld [smem:$0x3FB9];
	_ =	sdelay $0x3  }
0x33: {  	p0 =	seq.s32 s10, $0x1;
	s10 =	sld [smem:$0x3FBB];
	_ =	sdelay $0x3  }
0x34: {  	[smem:$0x3FBB] =	sst s10  }
0x35: {  	s10 =	sld [smem:$0x3FBA];
	_ =	sdelay $0x3  }
0x36: {  	p1 =	seq.s32 s10, $0x1;
	s10 =	sld [smem:$0x3FBB];
	_ =	sdelay $0x3  }
0x37: {  	[smem:$0x3FBB] =	sst s10  }
0x38: {  	s10 =	sld [smem:$0x3FBC]  }
0x39: {  	_ = 	snop;
	(pc) =	sbr.ind lr, $3  }
0x3a: {  	_ = 	snop  }
0x3b: {  	_ = 	snop  }
0x3c: {  	p2 =	seq.s32 s10, $0x1;
	s10 =	sld [smem:$0x3FBB]  }
0x3d: {  	_ =	shalt  }
0x3e: {  	_ =	shalt  }
0x3f: {  	_ =	shalt  }
0x40: {  	_ =	shalt  }
0x41: {  	_ =	shalt  }
0x42: {  	_ =	shalt  }
0x43: {  	_ =	shalt  }
0x44: {  	_ =	shalt  }
0x45: {  	_ =	shalt  }
0x46: {  	_ =	shalt  }
0x47: {  	_ =	shalt  }
0x48: {  	_ =	shalt  }
0x49: {  	_ =	shalt  }
0x4a: {  	_ =	shalt  }
0x4b: {  	_ =	shalt  }
0x4c: {  	_ =	shalt  }
0x4d: {  	_ =	shalt  }
0x4e: {  	_ =	shalt  }
0x4f: {  	_ =	shalt  }
0x50: {  	_ =	shalt  }
0x51: {  	_ =	shalt  }
0x52: {  	_ =	shalt  }
0x53: {  	_ =	shalt  }
0x54: {  	_ =	shalt  }
0x55: {  	_ =	shalt  }
0x56: {  	_ =	shalt  }
0x57: {  	_ =	shalt  }
0x58: {  	_ =	shalt  }
0x59: {  	_ =	shalt  }
0x5a: {  	_ =	shalt  }
0x5b: {  	_ =	shalt  }
0x5c: {  	_ =	shalt  }
0x5d: {  	_ =	shalt  }
0x5e: {  	_ =	shalt  }
0x5f: {  	_ =	shalt  }
0x60: {  	_ =	shalt  }
0x61: {  	_ =	shalt  }
0x62: {  	_ =	shalt  }
0x63: {  	_ =	shalt  }
0x64: {  	_ =	shalt  }
0x65: {  	_ =	shalt  }
0x66: {  	_ =	shalt  }
0x67: {  	_ =	shalt  }
0x68: {  	_ =	shalt  }
0x69: {  	_ =	shalt  }
0x6a: {  	_ =	shalt  }
0x6b: {  	_ =	shalt  }
0x6c: {  	_ =	shalt  }
0x6d: {  	_ =	shalt  }
0x6e: {  	_ =	shalt  }
0x6f: {  	_ =	shalt  }
0x70: {  	_ =	shalt  }
0x71: {  	_ =	shalt  }
0x72: {  	_ =	shalt  }
0x73: {  	_ =	shalt  }
0x74: {  	_ =	shalt  }
0x75: {  	_ =	shalt  }
0x76: {  	_ =	shalt  }
0x77: {  	_ =	shalt  }
0x78: {  	_ =	shalt  }
0x79: {  	_ =	shalt  }
0x7a: {  	_ =	shalt  }
0x7b: {  	_ =	shalt  }
0x7c: {  	_ =	shalt  }
0x7d: {  	_ =	shalt  }
0x7e: {  	_ =	shalt  }
0x7f: {  	_ =	shalt  }
0x80: {  	_ =	shalt  }
0x81: {  	_ =	shalt  }
0x82: {  	_ =	shalt  }
0x83: {  	_ =	shalt  }
0x84: {  	_ =	shalt  }
0x85: {  	_ =	shalt  }
0x86: {  	_ =	shalt  }
0x87: {  	_ =	shalt  }
.Lfunc_end0:
.L_simem_size_0:
called_computation_lowered:
.L_overlay_start_0:
0x88: {  	s2 =	sld [smem:$0x3FD9]  }
0x89: {  	s3 =	sld [smem:$0x3FFE];
	_ =	sdelay $0x1  }
0x8a: {  	s1 =	srdreg.scid  }
0x8b: {  	s0 =	sand.u32 $0x1, s1  }
0x8c: {  	s18 =	sshll.u32 s0, $0xA;
	s2 =	sadd.s32 s3, s2  }
0x8d: {  	s2 =	sadd.s32 s2, s18  }
0x8e: {  	[smem:$0x3FC7] =	sst s2  }
0x8f: {  	_ = 	snop  }
0x90: {  	s2 =	sld [smem:$0x3FC9]  }
0x91: {  	s19 =	sld [smem:$0x3FD0];
	(tm) =	ssettm $0x1  }
0x92: {  	s4 =	sld [smem:$0x3FFB];
	_ =	sdelay $0x3  }
0x93: {  	_ =	strace s4  }
0x94: {  	s4 =	sld [smem:$0x3FFC];
	_ =	sdelay $0x3  }
0x95: {  	_ =	strace s4  }
0x96: {  	s4 =	sld [smem:$0x3FFD];
	_ =	sdelay $0x3  }
0x97: {  	_ =	strace s4  }
0x98: {  	_ =	strace $0x8FFFFFFF  }
0x99: {  	s20 =	sld [smem:$0x3FDB];
	_ =	sdelay $0x1  }
0x9a: {  	s5 =	simm.s32 $_scs_section_size  }
0x9b: {  	s6 =	simm.s32 $_size__tile_overlayer_lowered;
	s7 =	simm.s32 $_tile_overlayer_lowered  }
0x9c: {  	s23 =	simm.s32 $0x1BFF;
	s22 =	sshll.u32 s7, $0x1;
	s4 =	sadd.s32 s5, s20  }
0x9d: {  	s8 =	simm.s32 $0x0;
	s21 =	sshll.u32 s6, $0x1;
	s6 =	sadd.s32 s22, s4  }
0x9e: {  	[timem:s8], [sflag:s23] =	dma.local [hbm:s6], s21  }
0x9f: {  	_ =	swait.ge [sflag:s23], s21  }
0xa0: {  	s5 =	ssub.s32 $0x0, s21;
	[sflag:s23] =	ssyncset.done $0x0  }
0xa1: {  	[sflag:s23] =	ssyncadd.s32 s5;
	_ =	sdelay $0x1  }
0xa2: {  	s24 =	simm.s32 $0x1B8B  }
0xa3: {  	_ =	swait.ge [sflag:s24], $0x1  }
0xa4: {  	[sflag:s24] =	ssyncset.done $0x0  }
0xa5: {  	s25 =	simm.s32 $0x1B8E;
	[sflag:s24] =	ssyncadd.s32 $0xFFFFFFFF  }
0xa6: {  	s26 =	simm.s32 $execute0_lowered;
	[smem:$0x3FD2] =	sst s25  }
0xa7: {  	s5 =	sshll.u32 s26, $0x1;
	_ =	strace $0x80000046;
	[dreg:$0x1] =	wrdreg $0xFFFFFFFF  }
0xa8: {  	s28 =	simm.s32 $_size_execute0_lowered;
	s4 =	sadd.s32 s4, s5;
	[dreg:$0x0] =	wrdreg $0x0  }
0xa9: {  	s5 =	sshll.u32 s28, $0x1;
	[dreg:$0x2] =	wrdreg s4  }
0xaa: {  	[dreg:$0x3] =	wrdreg s5  }
0xab: {  	[dreg:$0x4] =	wrdreg $0xC0  }
0xac: {  	_ =	task [dreg:s8], $0x5FFFF  }
0xad: {  	[dreg:$0x1] =	wrdreg $0xFFFFFFFF  }
0xae: {  	[dreg:$0x0] =	wrdreg $0x60  }
0xaf: {  	[dreg:$0x2] =	wrdreg s2  }
0xb0: {  	[dreg:$0x3] =	wrdreg s19  }
0xb1: {  	[dreg:$0x4] =	wrdreg $0x9  }
0xb2: {  	_ =	task.clear_ibuf [dreg:s8], $0x5FFFF;
	_ =	strace $0x90000046  }
0xb3: {  	s29 =	simm.s32 $0x9;
	_ =	strace $0x80000048  }
0xb4: {  	_ =	swait.ge [sflag:s29], $0x1  }
0xb5: {  	[sflag:s29] =	ssyncadd.s32 $0xFFFFFFFF  }
0xb6: {  	_ =	strace $0x90000048  }
0xb7: {  	_ =	sfence  }
0xb8: {  	s30 =	sld [smem:$0x0];
	_ =	sdelay $0x2  }
0xb9: {  	s31 =	sshll.u32 s1, $0xD;
	s1 =	sshrl.u32 s1, $0x2  }
0xba: {  	s3 =	sand.u32 $0x4000, s31;
	s1 =	sadd.s32 s1, s30  }
0xbb: {  	s0 =	sor.u32 s3, s0;
	s1 =	sshll.u32 s1, $0x11  }
0xbc: {  	s0 =	sor.u32 s1, s0  }
0xbd: {  	s0 =	sadd.s32 $0x8F2B, s0  }
0xbe: {  	[sflag:s0] =	ssyncadd.remote.s32 $0x1  }
0xbf: {  	_ =	sfence.sel $0xFFFF  }
0xc0: {  	[dreg:$0x0] =	wrdreg $0xFFFFFFFF;
	(pc) =	sbr.abs _section_cstart, $3  }
0xc1: {  	[dreg:$0x1] =	wrdreg $0xFFFFFFFF  }
0xc2: {  	_ =	task.clear_ibuf [dreg:s8], $0x2FFFF;
	_ =	strace $0x9FFFFFFF  }
0xc3: {  	(tm) =	ssettm $0x7FFFFFFF  }
tec
execute0_lowered:
.L_overlay_start_1:
0x0: {  	(tag) =	ssettag $0x1  }
0x1: {  	s1 =	srdreg.scid;
	s0 =	stileid.u32  }
0x2: {  	v0 =	vlaneseq.u32;
	s9 =	sand.u32 $0x1, s1;
	s17 =	sshll.u32 s0, $0x1  }
0x3: {  	s2 =	rddreg [dreg:$0x0];
	v15 =	vmul.u32 $0x20, v0;
	s10 =	sor.u32 s9, s17  }
0x4: {  	s8 =	rddreg [dreg:$0x1];
	s3 =	simm.s32 $0x0;
	s4 =	sshll.u32 s10, $0xD  }
0x5: {  	[smem:$0x7FF] =	sst s3;
	s5 =	sor.u32 $0x400, s4;
	v7 =	vor.u32 s4, v15  }
0x6: {  	s1 =	rddreg [dreg:$0x2];
	_ =	strace $0x80000047;
	s18 =	sor.u32 $0x600, s4;
	v0 =	vor.u32 s5, v15;
	[tilespmem:$0x0] =	vst v7  }
0x7: {  	s19 =	sor.u32 $0x800, s4;
	v1 =	vor.u32 s18, v15;
	[tilespmem:$0x20] =	vst v0  }
0x8: {  	s20 =	sor.u32 $0xA00, s4;
	v2 =	vor.u32 s19, v15;
	[tilespmem:$0x30] =	vst v1  }
0x9: {  	s21 =	sor.u32 $0xC00, s4;
	v3 =	vor.u32 s20, v15;
	[tilespmem:$0x40] =	vst v2  }
0xa: {  	s22 =	sor.u32 $0xE00, s4;
	v4 =	vor.u32 s21, v15;
	[tilespmem:$0x50] =	vst v3  }
0xb: {  	s23 =	sor.u32 $0x1000, s4;
	v5 =	vor.u32 s22, v15;
	[tilespmem:$0x60] =	vst v4  }
0xc: {  	s24 =	sor.u32 $0x1E00, s4;
	v6 =	vor.u32 s23, v15;
	[tilespmem:$0x70] =	vst v5  }
0xd: {  	s6 =	sor.u32 $0x1C00, s4;
	v8 =	vor.u32 s24, v15;
	[tilespmem:$0x80] =	vst v6  }
0xe: {  	s25 =	sor.u32 $0x1A00, s4;
	v9 =	vor.u32 s6, v15;
	[tilespmem:$0xF0] =	vst v8  }
0xf: {  	s26 =	sor.u32 $0x1800, s4;
	v10 =	vor.u32 s25, v15;
	[tilespmem:$0xE0] =	vst v9  }
0x10: {  	s28 =	sor.u32 $0x1600, s4;
	v11 =	vor.u32 s26, v15;
	[tilespmem:$0xD0] =	vst v10  }
0x11: {  	s29 =	sor.u32 $0x1400, s4;
	v12 =	vor.u32 s28, v15;
	[tilespmem:$0xC0] =	vst v11  }
0x12: {  	s30 =	sor.u32 $0x1200, s4;
	v13 =	vor.u32 s29, v15;
	[tilespmem:$0xB0] =	vst v12  }
0x13: {  	s4 =	sor.u32 $0x200, s4;
	v14 =	vor.u32 s30, v15;
	[tilespmem:$0xA0] =	vst v13  }
0x14: {  	v15 =	vor.u32 s4, v15;
	[tilespmem:$0x90] =	vst v14  }
0x15: {  	s4 =	simm.s32 $0x80;
	s5 =	simm.s32 $0x100;
	[tilespmem:$0x10] =	vst v15  }
0x16: {  	[tilespmem:s5], [sflag:$0x1] =	stream.indirect.gather [hbm4b:s2+s4], $0x80, s3, s4, $0xb8;
	[tilespmem:$0x8100] =	vst v63  }
0x17: {  	s7 =	simm.s32 $0x1;
	s9 =	ssub.s32 $0x2, s9;
	s6 =	simm.s32 $0x4100  }
0x18: {  	[tilespmem:s6], [sflag:$0x1] =	stream.indirect.gather [hbm4b:s2+s4], $0x80, s4, s4, $0xb8;
	[tilespmem:$0x8100] =	vst v63  }
0x19: {  	s11 =	sshrl.u32 s9, $0x1;
	_ =	swait.ge [sflag:s7], $0x4000  }
0x1a: {  	s9 =	ssub.s32 s9, s11;
	[sflag:s7] =	ssyncset.done $0x0  }
0x1b: {  	s31 =	smax.u32 s9, $0x1;
	[sflag:s7] =	ssyncadd.s32 $0xFFFFC000  }
0x1c: {  	p0 =	sne.s32 s31, $0x1;
	_ =	swait.ge [sflag:s7], $0x4000  }
.Ltmp0:
0x1d: {  	s10 =	sshll.u32 s10, $0xC;
	[sflag:s7] =	ssyncset.done $0x0;
	(pc) =	sbr.rel @!p0 .LBB2_2-.Ltmp0, $4  }
0x1e: {  	s8 =	sadd.s32 s8, s10;
	s9 =	simm.s32 $0x2;
	[sflag:s7] =	ssyncadd.s32 $0xFFFFC000  }
0x1f: {  	[hbm4b:s8+s3] =	stream.linear.scatter [tilespmem:s5], [sflag:$0x2], $0x8000, $0x38;
	[tilespmem:$0x8100] =	vst v63  }
0x20: {  	_ =	swait.ge [sflag:s9], $0x8000  }
0x21: {  	s10 =	sadd.s32 $0xFFFFFFFF, s31;
	[sflag:s9] =	ssyncset.done $0x0  }
.LBB2_1:
0x22: {  	p0 =	sne.s32 s10, $0x1;
	s10 =	sadd.s32 $0xFFFFFFFF, s10;
	[sflag:s9] =	ssyncadd.s32 $0xFFFF8000  }
0x23: {  	[tilespmem:$0x20] =	vst v0  }
0x24: {  	[tilespmem:$0x30] =	vst v1  }
0x25: {  	[tilespmem:$0x40] =	vst v2  }
0x26: {  	[tilespmem:$0x50] =	vst v3  }
0x27: {  	[tilespmem:$0x60] =	vst v4  }
0x28: {  	[tilespmem:$0x70] =	vst v5  }
0x29: {  	[tilespmem:$0x80] =	vst v6  }
0x2a: {  	[tilespmem:$0x0] =	vst v7  }
0x2b: {  	[tilespmem:$0xF0] =	vst v8  }
0x2c: {  	[tilespmem:$0xE0] =	vst v9  }
0x2d: {  	[tilespmem:$0xD0] =	vst v10  }
0x2e: {  	[tilespmem:$0xC0] =	vst v11  }
0x2f: {  	[tilespmem:$0xB0] =	vst v12  }
0x30: {  	[tilespmem:$0xA0] =	vst v13  }
0x31: {  	[tilespmem:$0x90] =	vst v14  }
0x32: {  	[tilespmem:$0x10] =	vst v15  }
0x33: {  	[tilespmem:s5], [sflag:$0x1] =	stream.indirect.gather [hbm4b:s2+s4], $0x80, s3, s4, $0xb8;
	[tilespmem:$0x8100] =	vst v63  }
0x34: {  	_ = 	snop  }
0x35: {  	[tilespmem:s6], [sflag:$0x1] =	stream.indirect.gather [hbm4b:s2+s4], $0x80, s4, s4, $0xb8;
	[tilespmem:$0x8100] =	vst v63  }
0x36: {  	_ =	swait.ge [sflag:s7], $0x4000  }
0x37: {  	[sflag:s7] =	ssyncset.done $0x0  }
0x38: {  	[sflag:s7] =	ssyncadd.s32 $0xFFFFC000  }
0x39: {  	_ =	swait.ge [sflag:s7], $0x4000  }
.Ltmp1:
0x3a: {  	[sflag:s7] =	ssyncset.done $0x0;
	(pc) =	sbr.rel @p0 .LBB2_1-.Ltmp1, $4  }
0x3b: {  	[sflag:s7] =	ssyncadd.s32 $0xFFFFC000  }
0x3c: {  	[hbm4b:s8+s3] =	stream.linear.scatter [tilespmem:s5], [sflag:$0x2], $0x8000, $0x38;
	[tilespmem:$0x8100] =	vst v63  }
0x3d: {  	_ =	swait.ge [sflag:s9], $0x8000  }
0x3e: {  	[sflag:s9] =	ssyncset.done $0x0  }
.LBB2_2:
0x3f: {  	[sflag:s9] =	ssyncadd.s32 $0xFFFF8000  }
0x40: {  	_ =	sfence.sel $0x180000  }
0x41: {  	[bflag:$0x0] =	sbarrier.arrive $0xFFFF  }
0x42: {  	p0 =	sne.s32 s0, $0x0;
	_ =	strace $0x90000047  }
0x43: {  	s0 =	sadd.s32 @!p0 $0x100000, s1;
	[bflag:$0x2] =	sbarrier.arrive $0xFFFF  }
0x44: {  	[sflag:s0] =	ssyncadd.tile.s32 @!p0 $0x1;
	_ =	shalt  }
.Lfunc_end2:
_tile_overlayer_lowered:
.L_overlay_start_2:
0x45: {  	(tag) =	ssettag $0x2  }
0x46: {  	s0 =	rddreg [dreg:$0x0];
	s2 =	stileid.u32  }
0x47: {  	s1 =	rddreg [dreg:$0x1];
	p0 =	sne.s32 s2, $0x0  }
0x48: {  	s3 =	rddreg [dreg:$0x2];
	[bflag:$0x3] =	sbarrier.arrive $0xFFFF;
	s2 =	simm.s32 @!p0 $0x1C02  }
0x49: {  	[timem:s3], [sflag:s2] =	dma.local @!p0 [hbm:s0], s1  }
0x4a: {  	s0 =	simm.s32 @!p0 $0x2  }
0x4b: {  	_ =	swait.ge @!p0 [sflag:s0], s1  }
0x4c: {  	s1 =	ssub.s32 @!p0 $0x0, s1;
	[sflag:s0] =	ssyncset.done @!p0 $0x0  }
0x4d: {  	[sflag:s0] =	ssyncadd.s32 @!p0 s1  }
0x4e: {  	[bflag:$0x3] =	sbarrier.arrive $0xFFFF  }
0x4f: {  	_ =	shalt  }

</sc_bundles>
